<compile_context>
chip_gen: v7x
topology: tpu7x:2x2x1
jax: 0.10.2.dev20260603
libtpu: 0.0.44.dev20260713+nightly
codegen_flags: <defaults>
</compile_context>

<pallas_src>
import functools

import jax
import jax.numpy as jnp
from jax import lax
from jax.experimental import pallas as pl
from jax.experimental.pallas import tpu as pltpu
from jax.experimental.pallas import tpu_sc as plsc

VOCAB = 100000
DIM = 128
BATCH = 4096
SEQ = 50

_INFO = plsc.get_sparse_core_info()
NC = _INFO.num_cores
NS = _INFO.num_subcores
NW = NC * NS

BPW = BATCH // NW
NSLOT = 2 * SEQ
NBUF = 4


@functools.partial(
    pl.kernel,
    out_type=jax.ShapeDtypeStruct((SEQ, BATCH, 2 * DIM), jnp.float32),
    mesh=plsc.VectorSubcoreMesh(core_axis_name="c", subcore_axis_name="s"),
    scratch_types=[
        pltpu.VMEM((NSLOT, BPW), jnp.int32),
        pltpu.VMEM((NBUF, BPW, DIM), jnp.float32),
        pltpu.SemaphoreType.DMA,
        pltpu.SemaphoreType.DMA,
    ],
)
def _gather_rows(idx_hbm, table_hbm, out_hbm, idx_v, rows_v, gsem, ssem):
    wid = lax.axis_index("s") * NC + lax.axis_index("c")
    b0 = wid * BPW
    pltpu.sync_copy(idx_hbm.at[:, pl.ds(b0, BPW)], idx_v)

    def fire_gather(s, buf):
        pltpu.async_copy(table_hbm.at[idx_v.at[s]], rows_v.at[buf], gsem)

    def wait_gather(s, buf):
        pltpu.make_async_copy(table_hbm.at[idx_v.at[s]],
                              rows_v.at[buf], gsem).wait()

    fire_gather(0, 0)
    fire_gather(1, 1)
    fire_gather(2, 2)

    @pl.loop(0, NSLOT, step=NBUF)
    def _body(s0):
        for k in range(NBUF):
            s = s0 + k
            h = k % 2
            dst = out_hbm.at[lax.div(s, 2), pl.ds(b0, BPW),
                             pl.ds(h * DIM, DIM)]
            wait_gather(s, k)
            pltpu.async_copy(rows_v.at[k], dst, ssem)

            @pl.when(s >= 1)
            def _():
                pltpu.make_async_copy(rows_v.at[k], dst, ssem).wait()

            @pl.when(s + 3 < NSLOT)
            def _():
                fire_gather(s + 3, (k + 3) % NBUF)

    dst0 = out_hbm.at[0, pl.ds(b0, BPW), pl.ds(0, DIM)]
    pltpu.make_async_copy(rows_v.at[0], dst0, ssem).wait()


def kernel(first_last_ids, table):
    ids = first_last_ids.astype(jnp.int32)
    idx = jnp.transpose(ids, (1, 2, 0)).reshape(NSLOT, BATCH)
    out = _gather_rows(idx, table)
    return jnp.transpose(out, (1, 0, 2))

# --- scband reference (transcript-rebuilt; emitter-appended) ---
"""Pipeline reference for scband-byte-pair-embeddings-15771119911654 (READ-ONLY COPY).

The authoritative reference and input builder live on the scoring server;
editing this copy changes nothing except your own understanding.
"""

import jax, jax.numpy as jnp
import numpy as np

VOCAB = 100000
DIM = 128
BATCH = 4096
SEQ = 50


def setup_inputs(seed: int = 0) -> dict:
    key = jax.random.key(seed)
    k_idx, k_tab = jax.random.split(key)
    first_last_ids = jax.random.randint(k_idx, (BATCH, SEQ, 2), 0, VOCAB, dtype=jnp.int64 if jax.config.jax_enable_x64 else jnp.int32)
    table = jax.random.normal(k_tab, (VOCAB, DIM), dtype=jnp.float32) * 0.02
    return {"first_last_ids": first_last_ids, "table": table}


def reference(first_last_ids, table):
    # BytePairEmbeddings: for each token, embed subwords and concatenate
    # embeddings[0] (first subword) with embeddings[-1] (last subword),
    # producing a 2*dim vector per token.
    first_emb = jnp.take(table, first_last_ids[..., 0], axis=0)  # [B, L, DIM]
    last_emb = jnp.take(table, first_last_ids[..., 1], axis=0)   # [B, L, DIM]
    out = jnp.concatenate([first_emb, last_emb], axis=-1)        # [B, L, 2*DIM]
    return out

if __name__ == "__main__":
    import jax
    _d = setup_inputs()
    print(jax.jit(kernel)(*tuple(_d.values())))

</pallas_src>

<mosaic_0001>
#map = affine_map<(d0, d1) -> (0, 0)>
#map1 = affine_map<(d0, d1) -> (0, 0, 0)>
module attributes {stable_mosaic.version = 14 : i64} {
  func.func @_gather_rows(%arg0: i32, %arg1: i32, %arg2: memref<100x4096xi32, #tpu.memory_space<hbm>>, %arg3: memref<100000x128xf32, #tpu.memory_space<hbm>>, %arg4: memref<50x4096x256xf32, #tpu.memory_space<hbm>>, %arg5: memref<100x128xi32, #tpu.memory_space<vmem>>, %arg6: memref<4x128x128xf32, #tpu.memory_space<vmem>>, %arg7: memref<!tpu.dma_semaphore, #tpu.memory_space<semaphore_mem>>, %arg8: memref<!tpu.dma_semaphore, #tpu.memory_space<semaphore_mem>>) attributes {dimension_semantics = [#tpu.dimension_semantics<core_parallel>, #tpu.dimension_semantics<subcore_parallel>], iteration_bounds = array<i64: 2, 16>, scalar_prefetch = 0 : i64, scratch_operands = 4 : i64, tpu.core_type = #tpu.core_type<sc_vector_subcore>, window_params = [{transform_indices = #map}, {transform_indices = #map}, {transform_indices = #map1}]} {
    %mul3A = arith.constant 2 : i32
    %mul3A_0 = arith.muli %arg1, %mul3A : i32
    %add3A = arith.addi %mul3A_0, %arg0 : i32
    %mul3A_1 = arith.constant 128 : i32
    %mul3A_2 = arith.muli %add3A, %mul3A_1 : i32
    "tpu.region"() ({
      %run_scoped3A = tpu.sem_alloc : memref<!tpu.dma_semaphore, #tpu.memory_space<semaphore_mem>>
      %dma_start3A_57 = arith.constant 0 : i32
      %dma_start3A_58 = tpu.memref_slice %arg2[%dma_start3A_57, %mul3A_2] : memref<100x4096xi32, #tpu.memory_space<hbm>> -> memref<100x128xi32, #tpu.memory_space<hbm>>
      %dma_start3A_59 = arith.constant 0 : i32
      %dma_start3A_60 = tpu.memref_slice %arg2[%dma_start3A_59, %mul3A_2] : memref<100x4096xi32, #tpu.memory_space<hbm>> -> memref<100x128xi32, #tpu.memory_space<hbm>>
      tpu.enqueue_dma source(%dma_start3A_60 : memref<100x128xi32, #tpu.memory_space<hbm>>) target(%arg5 : memref<100x128xi32, #tpu.memory_space<vmem>>) target_semaphore(%run_scoped3A : memref<!tpu.dma_semaphore, #tpu.memory_space<semaphore_mem>>)
      %dma_wait3A_61 = arith.constant 0 : i32
      %dma_wait3A_62 = tpu.memref_slice %arg2[%dma_wait3A_61, %mul3A_2] : memref<100x4096xi32, #tpu.memory_space<hbm>> -> memref<100x128xi32, #tpu.memory_space<hbm>>
      %dma_wait3A_63 = arith.constant 0 : i32
      %dma_wait3A_64 = tpu.memref_slice %arg2[%dma_wait3A_63, %mul3A_2] : memref<100x4096xi32, #tpu.memory_space<hbm>> -> memref<100x128xi32, #tpu.memory_space<hbm>>
      tpu.wait_dma2 semaphore(%run_scoped3A : memref<!tpu.dma_semaphore, #tpu.memory_space<semaphore_mem>>) src(%dma_wait3A_64 : memref<100x128xi32, #tpu.memory_space<hbm>>) dst(%arg5 : memref<100x128xi32, #tpu.memory_space<vmem>>)
      tpu.yield
    }) : () -> ()
    %dma_start3A = arith.constant 0 : i32
    %dma_start3A_3 = arith.constant 0 : i32
    %dma_start3A_4 = arith.constant 0 : i32
    %dma_start3A_5 = arith.constant 0 : i32
    %dma_start3A_6 = tpu.memref_slice %arg6[%dma_start3A_3, %dma_start3A_4, %dma_start3A_5] : memref<4x128x128xf32, #tpu.memory_space<vmem>> -> memref<1x128x128xf32, #tpu.memory_space<vmem>>
    %dma_start3A_7 = tpu.memref_squeeze %dma_start3A_6 : memref<1x128x128xf32, #tpu.memory_space<vmem>> -> memref<128x128xf32, #tpu.memory_space<vmem>>
    %dma_start3A_8 = arith.constant 0 : i32
    %dma_start3A_9 = tpu.memref_slice %arg5[%dma_start3A, %dma_start3A_8] : memref<100x128xi32, #tpu.memory_space<vmem>> -> memref<1x128xi32, #tpu.memory_space<vmem>>
    %dma_start3A_10 = tpu.memref_squeeze %dma_start3A_9 : memref<1x128xi32, #tpu.memory_space<vmem>> -> memref<128xi32, #tpu.memory_space<vmem>>
    %dma_start3A_11 = arith.constant 0 : i32
    %dma_start3A_12 = arith.constant 0 : i32
    %dma_start3A_13 = tpu.memref_slice %arg3[%dma_start3A_11, %dma_start3A_12] : memref<100000x128xf32, #tpu.memory_space<hbm>> -> memref<100000x128xf32, #tpu.memory_space<hbm>>
    tpu.enqueue_indirect_dma source(%dma_start3A_13 : memref<100000x128xf32, #tpu.memory_space<hbm>>) target(%dma_start3A_7 : memref<128x128xf32, #tpu.memory_space<vmem>>) offsets(%dma_start3A_10 : memref<128xi32, #tpu.memory_space<vmem>>) semaphore(%arg7 : memref<!tpu.dma_semaphore, #tpu.memory_space<semaphore_mem>>)
    %dma_start3A_14 = arith.constant 1 : i32
    %dma_start3A_15 = arith.constant 1 : i32
    %dma_start3A_16 = arith.constant 0 : i32
    %dma_start3A_17 = arith.constant 0 : i32
    %dma_start3A_18 = tpu.memref_slice %arg6[%dma_start3A_15, %dma_start3A_16, %dma_start3A_17] : memref<4x128x128xf32, #tpu.memory_space<vmem>> -> memref<1x128x128xf32, #tpu.memory_space<vmem>>
    %dma_start3A_19 = tpu.memref_squeeze %dma_start3A_18 : memref<1x128x128xf32, #tpu.memory_space<vmem>> -> memref<128x128xf32, #tpu.memory_space<vmem>>
    %dma_start3A_20 = arith.constant 0 : i32
    %dma_start3A_21 = tpu.memref_slice %arg5[%dma_start3A_14, %dma_start3A_20] : memref<100x128xi32, #tpu.memory_space<vmem>> -> memref<1x128xi32, #tpu.memory_space<vmem>>
    %dma_start3A_22 = tpu.memref_squeeze %dma_start3A_21 : memref<1x128xi32, #tpu.memory_space<vmem>> -> memref<128xi32, #tpu.memory_space<vmem>>
    %dma_start3A_23 = arith.constant 0 : i32
    %dma_start3A_24 = arith.constant 0 : i32
    %dma_start3A_25 = tpu.memref_slice %arg3[%dma_start3A_23, %dma_start3A_24] : memref<100000x128xf32, #tpu.memory_space<hbm>> -> memref<100000x128xf32, #tpu.memory_space<hbm>>
    tpu.enqueue_indirect_dma source(%dma_start3A_25 : memref<100000x128xf32, #tpu.memory_space<hbm>>) target(%dma_start3A_19 : memref<128x128xf32, #tpu.memory_space<vmem>>) offsets(%dma_start3A_22 : memref<128xi32, #tpu.memory_space<vmem>>) semaphore(%arg7 : memref<!tpu.dma_semaphore, #tpu.memory_space<semaphore_mem>>)
    %dma_start3A_26 = arith.constant 2 : i32
    %dma_start3A_27 = arith.constant 2 : i32
    %dma_start3A_28 = arith.constant 0 : i32
    %dma_start3A_29 = arith.constant 0 : i32
    %dma_start3A_30 = tpu.memref_slice %arg6[%dma_start3A_27, %dma_start3A_28, %dma_start3A_29] : memref<4x128x128xf32, #tpu.memory_space<vmem>> -> memref<1x128x128xf32, #tpu.memory_space<vmem>>
    %dma_start3A_31 = tpu.memref_squeeze %dma_start3A_30 : memref<1x128x128xf32, #tpu.memory_space<vmem>> -> memref<128x128xf32, #tpu.memory_space<vmem>>
    %dma_start3A_32 = arith.constant 0 : i32
    %dma_start3A_33 = tpu.memref_slice %arg5[%dma_start3A_26, %dma_start3A_32] : memref<100x128xi32, #tpu.memory_space<vmem>> -> memref<1x128xi32, #tpu.memory_space<vmem>>
    %dma_start3A_34 = tpu.memref_squeeze %dma_start3A_33 : memref<1x128xi32, #tpu.memory_space<vmem>> -> memref<128xi32, #tpu.memory_space<vmem>>
    %dma_start3A_35 = arith.constant 0 : i32
    %dma_start3A_36 = arith.constant 0 : i32
    %dma_start3A_37 = tpu.memref_slice %arg3[%dma_start3A_35, %dma_start3A_36] : memref<100000x128xf32, #tpu.memory_space<hbm>> -> memref<100000x128xf32, #tpu.memory_space<hbm>>
    tpu.enqueue_indirect_dma source(%dma_start3A_37 : memref<100000x128xf32, #tpu.memory_space<hbm>>) target(%dma_start3A_31 : memref<128x128xf32, #tpu.memory_space<vmem>>) offsets(%dma_start3A_34 : memref<128xi32, #tpu.memory_space<vmem>>) semaphore(%arg7 : memref<!tpu.dma_semaphore, #tpu.memory_space<semaphore_mem>>)
    %scan3A = arith.constant 0 : i32
    %scan3A_38 = arith.constant 25 : i32
    %scan3A_39 = arith.addi %scan3A, %scan3A_38 : i32
    %scan3A_40 = arith.constant 1 : i32
    scf.for %scan3A_57 = %scan3A to %scan3A_39 step %scan3A_40  : i32 {
      %mul3A_58 = arith.constant 4 : i32
      %mul3A_59 = arith.muli %scan3A_57, %mul3A_58 : i32
      %add3A_60 = arith.constant 0 : i32
      %add3A_61 = arith.addi %add3A_60, %mul3A_59 : i32
      %add3A_62 = arith.constant 0 : i32
      %add3A_63 = arith.addi %add3A_61, %add3A_62 : i32
      %div3A = arith.constant 2 : i32
      %div3A_64 = arith.divsi %add3A_63, %div3A : i32
      %dma_wait3A_65 = arith.constant 0 : i32
      %dma_wait3A_66 = arith.constant 0 : i32
      %dma_wait3A_67 = arith.constant 0 : i32
      %dma_wait3A_68 = tpu.memref_slice %arg6[%dma_wait3A_65, %dma_wait3A_66, %dma_wait3A_67] : memref<4x128x128xf32, #tpu.memory_space<vmem>> -> memref<1x128x128xf32, #tpu.memory_space<vmem>>
      %dma_wait3A_69 = tpu.memref_squeeze %dma_wait3A_68 : memref<1x128x128xf32, #tpu.memory_space<vmem>> -> memref<128x128xf32, #tpu.memory_space<vmem>>
      %dma_wait3A_70 = arith.constant 0 : i32
      %dma_wait3A_71 = tpu.memref_slice %arg5[%add3A_63, %dma_wait3A_70] : memref<100x128xi32, #tpu.memory_space<vmem>> -> memref<1x128xi32, #tpu.memory_space<vmem>>
      %dma_wait3A_72 = tpu.memref_squeeze %dma_wait3A_71 : memref<1x128xi32, #tpu.memory_space<vmem>> -> memref<128xi32, #tpu.memory_space<vmem>>
      %dma_wait3A_73 = arith.constant 0 : i32
      %dma_wait3A_74 = arith.constant 0 : i32
      %dma_wait3A_75 = tpu.memref_slice %arg3[%dma_wait3A_73, %dma_wait3A_74] : memref<100000x128xf32, #tpu.memory_space<hbm>> -> memref<100000x128xf32, #tpu.memory_space<hbm>>
      tpu.wait_indirect_dma semaphore(%arg7 : memref<!tpu.dma_semaphore, #tpu.memory_space<semaphore_mem>>) src(%dma_wait3A_75 : memref<100000x128xf32, #tpu.memory_space<hbm>>) dst(%dma_wait3A_69 : memref<128x128xf32, #tpu.memory_space<vmem>>)
      %dma_start3A_76 = arith.constant 0 : i32
      %dma_start3A_77 = arith.constant 0 : i32
      %dma_start3A_78 = arith.constant 0 : i32
      %dma_start3A_79 = tpu.memref_slice %arg6[%dma_start3A_76, %dma_start3A_77, %dma_start3A_78] : memref<4x128x128xf32, #tpu.memory_space<vmem>> -> memref<1x128x128xf32, #tpu.memory_space<vmem>>
      %dma_start3A_80 = tpu.memref_squeeze %dma_start3A_79 : memref<1x128x128xf32, #tpu.memory_space<vmem>> -> memref<128x128xf32, #tpu.memory_space<vmem>>
      %dma_start3A_81 = arith.constant 0 : i32
      %dma_start3A_82 = tpu.memref_slice %arg4[%div3A_64, %mul3A_2, %dma_start3A_81] : memref<50x4096x256xf32, #tpu.memory_space<hbm>> -> memref<1x128x128xf32, #tpu.memory_space<hbm>>
      %dma_start3A_83 = tpu.memref_squeeze %dma_start3A_82 : memref<1x128x128xf32, #tpu.memory_space<hbm>> -> memref<128x128xf32, #tpu.memory_space<hbm>>
      %dma_start3A_84 = arith.constant 0 : i32
      %dma_start3A_85 = tpu.memref_slice %arg4[%div3A_64, %mul3A_2, %dma_start3A_84] : memref<50x4096x256xf32, #tpu.memory_space<hbm>> -> memref<1x128x128xf32, #tpu.memory_space<hbm>>
      %dma_start3A_86 = tpu.memref_squeeze %dma_start3A_85 : memref<1x128x128xf32, #tpu.memory_space<hbm>> -> memref<128x128xf32, #tpu.memory_space<hbm>>
      %dma_start3A_87 = arith.constant 0 : i32
      %dma_start3A_88 = arith.constant 0 : i32
      %dma_start3A_89 = tpu.memref_slice %arg6[%dma_start3A_76, %dma_start3A_87, %dma_start3A_88] : memref<4x128x128xf32, #tpu.memory_space<vmem>> -> memref<1x128x128xf32, #tpu.memory_space<vmem>>
      %dma_start3A_90 = tpu.memref_squeeze %dma_start3A_89 : memref<1x128x128xf32, #tpu.memory_space<vmem>> -> memref<128x128xf32, #tpu.memory_space<vmem>>
      tpu.enqueue_dma source(%dma_start3A_90 : memref<128x128xf32, #tpu.memory_space<vmem>>) target(%dma_start3A_86 : memref<128x128xf32, #tpu.memory_space<hbm>>) target_semaphore(%arg8 : memref<!tpu.dma_semaphore, #tpu.memory_space<semaphore_mem>>)
      %ge3A = arith.constant 1 : i32
      %ge3A_91 = arith.cmpi sge, %add3A_63, %ge3A : i32
      %convert_element_type3A = arith.extui %ge3A_91 : i1 to i32
      %cond3A = arith.constant 0 : i32
      %cond3A_92 = arith.cmpi ne, %convert_element_type3A, %cond3A : i32
      scf.if %cond3A_92 {
        %dma_wait3A_225 = arith.constant 0 : i32
        %dma_wait3A_226 = arith.constant 0 : i32
        %dma_wait3A_227 = arith.constant 0 : i32
        %dma_wait3A_228 = tpu.memref_slice %arg6[%dma_wait3A_225, %dma_wait3A_226, %dma_wait3A_227] : memref<4x128x128xf32, #tpu.memory_space<vmem>> -> memref<1x128x128xf32, #tpu.memory_space<vmem>>
        %dma_wait3A_229 = tpu.memref_squeeze %dma_wait3A_228 : memref<1x128x128xf32, #tpu.memory_space<vmem>> -> memref<128x128xf32, #tpu.memory_space<vmem>>
        %dma_wait3A_230 = arith.constant 0 : i32
        %dma_wait3A_231 = tpu.memref_slice %arg4[%div3A_64, %mul3A_2, %dma_wait3A_230] : memref<50x4096x256xf32, #tpu.memory_space<hbm>> -> memref<1x128x128xf32, #tpu.memory_space<hbm>>
        %dma_wait3A_232 = tpu.memref_squeeze %dma_wait3A_231 : memref<1x128x128xf32, #tpu.memory_space<hbm>> -> memref<128x128xf32, #tpu.memory_space<hbm>>
        %dma_wait3A_233 = arith.constant 0 : i32
        %dma_wait3A_234 = tpu.memref_slice %arg4[%div3A_64, %mul3A_2, %dma_wait3A_233] : memref<50x4096x256xf32, #tpu.memory_space<hbm>> -> memref<1x128x128xf32, #tpu.memory_space<hbm>>
        %dma_wait3A_235 = tpu.memref_squeeze %dma_wait3A_234 : memref<1x128x128xf32, #tpu.memory_space<hbm>> -> memref<128x128xf32, #tpu.memory_space<hbm>>
        %dma_wait3A_236 = arith.constant 0 : i32
        %dma_wait3A_237 = arith.constant 0 : i32
        %dma_wait3A_238 = tpu.memref_slice %arg6[%dma_wait3A_225, %dma_wait3A_236, %dma_wait3A_237] : memref<4x128x128xf32, #tpu.memory_space<vmem>> -> memref<1x128x128xf32, #tpu.memory_space<vmem>>
        %dma_wait3A_239 = tpu.memref_squeeze %dma_wait3A_238 : memref<1x128x128xf32, #tpu.memory_space<vmem>> -> memref<128x128xf32, #tpu.memory_space<vmem>>
        tpu.wait_dma2 semaphore(%arg8 : memref<!tpu.dma_semaphore, #tpu.memory_space<semaphore_mem>>) src(%dma_wait3A_239 : memref<128x128xf32, #tpu.memory_space<vmem>>) dst(%dma_wait3A_235 : memref<128x128xf32, #tpu.memory_space<hbm>>)
      } else {
      }
      %add3A_93 = arith.constant 3 : i32
      %add3A_94 = arith.addi %add3A_63, %add3A_93 : i32
      %lt3A = arith.constant 100 : i32
      %lt3A_95 = arith.cmpi slt, %add3A_94, %lt3A : i32
      %convert_element_type3A_96 = arith.extui %lt3A_95 : i1 to i32
      %cond3A_97 = arith.constant 0 : i32
      %cond3A_98 = arith.cmpi ne, %convert_element_type3A_96, %cond3A_97 : i32
      scf.if %cond3A_98 {
        %add3A_225 = arith.constant 3 : i32
        %add3A_226 = arith.addi %add3A_63, %add3A_225 : i32
        %dma_start3A_227 = arith.constant 3 : i32
        %dma_start3A_228 = arith.constant 0 : i32
        %dma_start3A_229 = arith.constant 0 : i32
        %dma_start3A_230 = tpu.memref_slice %arg6[%dma_start3A_227, %dma_start3A_228, %dma_start3A_229] : memref<4x128x128xf32, #tpu.memory_space<vmem>> -> memref<1x128x128xf32, #tpu.memory_space<vmem>>
        %dma_start3A_231 = tpu.memref_squeeze %dma_start3A_230 : memref<1x128x128xf32, #tpu.memory_space<vmem>> -> memref<128x128xf32, #tpu.memory_space<vmem>>
        %dma_start3A_232 = arith.constant 0 : i32
        %dma_start3A_233 = tpu.memref_slice %arg5[%add3A_226, %dma_start3A_232] : memref<100x128xi32, #tpu.memory_space<vmem>> -> memref<1x128xi32, #tpu.memory_space<vmem>>
        %dma_start3A_234 = tpu.memref_squeeze %dma_start3A_233 : memref<1x128xi32, #tpu.memory_space<vmem>> -> memref<128xi32, #tpu.memory_space<vmem>>
        %dma_start3A_235 = arith.constant 0 : i32
        %dma_start3A_236 = arith.constant 0 : i32
        %dma_start3A_237 = tpu.memref_slice %arg3[%dma_start3A_235, %dma_start3A_236] : memref<100000x128xf32, #tpu.memory_space<hbm>> -> memref<100000x128xf32, #tpu.memory_space<hbm>>
        tpu.enqueue_indirect_dma source(%dma_start3A_237 : memref<100000x128xf32, #tpu.memory_space<hbm>>) target(%dma_start3A_231 : memref<128x128xf32, #tpu.memory_space<vmem>>) offsets(%dma_start3A_234 : memref<128xi32, #tpu.memory_space<vmem>>) semaphore(%arg7 : memref<!tpu.dma_semaphore, #tpu.memory_space<semaphore_mem>>)
      } else {
      }
      %add3A_99 = arith.constant 1 : i32
      %add3A_100 = arith.addi %add3A_61, %add3A_99 : i32
      %div3A_101 = arith.constant 2 : i32
      %div3A_102 = arith.divsi %add3A_100, %div3A_101 : i32
      %dma_wait3A_103 = arith.constant 1 : i32
      %dma_wait3A_104 = arith.constant 0 : i32
      %dma_wait3A_105 = arith.constant 0 : i32
      %dma_wait3A_106 = tpu.memref_slice %arg6[%dma_wait3A_103, %dma_wait3A_104, %dma_wait3A_105] : memref<4x128x128xf32, #tpu.memory_space<vmem>> -> memref<1x128x128xf32, #tpu.memory_space<vmem>>
      %dma_wait3A_107 = tpu.memref_squeeze %dma_wait3A_106 : memref<1x128x128xf32, #tpu.memory_space<vmem>> -> memref<128x128xf32, #tpu.memory_space<vmem>>
      %dma_wait3A_108 = arith.constant 0 : i32
      %dma_wait3A_109 = tpu.memref_slice %arg5[%add3A_100, %dma_wait3A_108] : memref<100x128xi32, #tpu.memory_space<vmem>> -> memref<1x128xi32, #tpu.memory_space<vmem>>
      %dma_wait3A_110 = tpu.memref_squeeze %dma_wait3A_109 : memref<1x128xi32, #tpu.memory_space<vmem>> -> memref<128xi32, #tpu.memory_space<vmem>>
      %dma_wait3A_111 = arith.constant 0 : i32
      %dma_wait3A_112 = arith.constant 0 : i32
      %dma_wait3A_113 = tpu.memref_slice %arg3[%dma_wait3A_111, %dma_wait3A_112] : memref<100000x128xf32, #tpu.memory_space<hbm>> -> memref<100000x128xf32, #tpu.memory_space<hbm>>
      tpu.wait_indirect_dma semaphore(%arg7 : memref<!tpu.dma_semaphore, #tpu.memory_space<semaphore_mem>>) src(%dma_wait3A_113 : memref<100000x128xf32, #tpu.memory_space<hbm>>) dst(%dma_wait3A_107 : memref<128x128xf32, #tpu.memory_space<vmem>>)
      %dma_start3A_114 = arith.constant 1 : i32
      %dma_start3A_115 = arith.constant 0 : i32
      %dma_start3A_116 = arith.constant 0 : i32
      %dma_start3A_117 = tpu.memref_slice %arg6[%dma_start3A_114, %dma_start3A_115, %dma_start3A_116] : memref<4x128x128xf32, #tpu.memory_space<vmem>> -> memref<1x128x128xf32, #tpu.memory_space<vmem>>
      %dma_start3A_118 = tpu.memref_squeeze %dma_start3A_117 : memref<1x128x128xf32, #tpu.memory_space<vmem>> -> memref<128x128xf32, #tpu.memory_space<vmem>>
      %dma_start3A_119 = arith.constant 128 : i32
      %dma_start3A_120 = tpu.memref_slice %arg4[%div3A_102, %mul3A_2, %dma_start3A_119] : memref<50x4096x256xf32, #tpu.memory_space<hbm>> -> memref<1x128x128xf32, #tpu.memory_space<hbm>>
      %dma_start3A_121 = tpu.memref_squeeze %dma_start3A_120 : memref<1x128x128xf32, #tpu.memory_space<hbm>> -> memref<128x128xf32, #tpu.memory_space<hbm>>
      %dma_start3A_122 = arith.constant 128 : i32
      %dma_start3A_123 = tpu.memref_slice %arg4[%div3A_102, %mul3A_2, %dma_start3A_122] : memref<50x4096x256xf32, #tpu.memory_space<hbm>> -> memref<1x128x128xf32, #tpu.memory_space<hbm>>
      %dma_start3A_124 = tpu.memref_squeeze %dma_start3A_123 : memref<1x128x128xf32, #tpu.memory_space<hbm>> -> memref<128x128xf32, #tpu.memory_space<hbm>>
      %dma_start3A_125 = arith.constant 0 : i32
      %dma_start3A_126 = arith.constant 0 : i32
      %dma_start3A_127 = tpu.memref_slice %arg6[%dma_start3A_114, %dma_start3A_125, %dma_start3A_126] : memref<4x128x128xf32, #tpu.memory_space<vmem>> -> memref<1x128x128xf32, #tpu.memory_space<vmem>>
      %dma_start3A_128 = tpu.memref_squeeze %dma_start3A_127 : memref<1x128x128xf32, #tpu.memory_space<vmem>> -> memref<128x128xf32, #tpu.memory_space<vmem>>
      tpu.enqueue_dma source(%dma_start3A_128 : memref<128x128xf32, #tpu.memory_space<vmem>>) target(%dma_start3A_124 : memref<128x128xf32, #tpu.memory_space<hbm>>) target_semaphore(%arg8 : memref<!tpu.dma_semaphore, #tpu.memory_space<semaphore_mem>>)
      %ge3A_129 = arith.constant 1 : i32
      %ge3A_130 = arith.cmpi sge, %add3A_100, %ge3A_129 : i32
      %convert_element_type3A_131 = arith.extui %ge3A_130 : i1 to i32
      %cond3A_132 = arith.constant 0 : i32
      %cond3A_133 = arith.cmpi ne, %convert_element_type3A_131, %cond3A_132 : i32
      scf.if %cond3A_133 {
        %dma_wait3A_225 = arith.constant 1 : i32
        %dma_wait3A_226 = arith.constant 0 : i32
        %dma_wait3A_227 = arith.constant 0 : i32
        %dma_wait3A_228 = tpu.memref_slice %arg6[%dma_wait3A_225, %dma_wait3A_226, %dma_wait3A_227] : memref<4x128x128xf32, #tpu.memory_space<vmem>> -> memref<1x128x128xf32, #tpu.memory_space<vmem>>
        %dma_wait3A_229 = tpu.memref_squeeze %dma_wait3A_228 : memref<1x128x128xf32, #tpu.memory_space<vmem>> -> memref<128x128xf32, #tpu.memory_space<vmem>>
        %dma_wait3A_230 = arith.constant 128 : i32
        %dma_wait3A_231 = tpu.memref_slice %arg4[%div3A_102, %mul3A_2, %dma_wait3A_230] : memref<50x4096x256xf32, #tpu.memory_space<hbm>> -> memref<1x128x128xf32, #tpu.memory_space<hbm>>
        %dma_wait3A_232 = tpu.memref_squeeze %dma_wait3A_231 : memref<1x128x128xf32, #tpu.memory_space<hbm>> -> memref<128x128xf32, #tpu.memory_space<hbm>>
        %dma_wait3A_233 = arith.constant 128 : i32
        %dma_wait3A_234 = tpu.memref_slice %arg4[%div3A_102, %mul3A_2, %dma_wait3A_233] : memref<50x4096x256xf32, #tpu.memory_space<hbm>> -> memref<1x128x128xf32, #tpu.memory_space<hbm>>
        %dma_wait3A_235 = tpu.memref_squeeze %dma_wait3A_234 : memref<1x128x128xf32, #tpu.memory_space<hbm>> -> memref<128x128xf32, #tpu.memory_space<hbm>>
        %dma_wait3A_236 = arith.constant 0 : i32
        %dma_wait3A_237 = arith.constant 0 : i32
        %dma_wait3A_238 = tpu.memref_slice %arg6[%dma_wait3A_225, %dma_wait3A_236, %dma_wait3A_237] : memref<4x128x128xf32, #tpu.memory_space<vmem>> -> memref<1x128x128xf32, #tpu.memory_space<vmem>>
        %dma_wait3A_239 = tpu.memref_squeeze %dma_wait3A_238 : memref<1x128x128xf32, #tpu.memory_space<vmem>> -> memref<128x128xf32, #tpu.memory_space<vmem>>
        tpu.wait_dma2 semaphore(%arg8 : memref<!tpu.dma_semaphore, #tpu.memory_space<semaphore_mem>>) src(%dma_wait3A_239 : memref<128x128xf32, #tpu.memory_space<vmem>>) dst(%dma_wait3A_235 : memref<128x128xf32, #tpu.memory_space<hbm>>)
      } else {
      }
      %add3A_134 = arith.constant 3 : i32
      %add3A_135 = arith.addi %add3A_100, %add3A_134 : i32
      %lt3A_136 = arith.constant 100 : i32
      %lt3A_137 = arith.cmpi slt, %add3A_135, %lt3A_136 : i32
      %convert_element_type3A_138 = arith.extui %lt3A_137 : i1 to i32
      %cond3A_139 = arith.constant 0 : i32
      %cond3A_140 = arith.cmpi ne, %convert_element_type3A_138, %cond3A_139 : i32
      scf.if %cond3A_140 {
        %add3A_225 = arith.constant 3 : i32
        %add3A_226 = arith.addi %add3A_100, %add3A_225 : i32
        %dma_start3A_227 = arith.constant 0 : i32
        %dma_start3A_228 = arith.constant 0 : i32
        %dma_start3A_229 = arith.constant 0 : i32
        %dma_start3A_230 = tpu.memref_slice %arg6[%dma_start3A_227, %dma_start3A_228, %dma_start3A_229] : memref<4x128x128xf32, #tpu.memory_space<vmem>> -> memref<1x128x128xf32, #tpu.memory_space<vmem>>
        %dma_start3A_231 = tpu.memref_squeeze %dma_start3A_230 : memref<1x128x128xf32, #tpu.memory_space<vmem>> -> memref<128x128xf32, #tpu.memory_space<vmem>>
        %dma_start3A_232 = arith.constant 0 : i32
        %dma_start3A_233 = tpu.memref_slice %arg5[%add3A_226, %dma_start3A_232] : memref<100x128xi32, #tpu.memory_space<vmem>> -> memref<1x128xi32, #tpu.memory_space<vmem>>
        %dma_start3A_234 = tpu.memref_squeeze %dma_start3A_233 : memref<1x128xi32, #tpu.memory_space<vmem>> -> memref<128xi32, #tpu.memory_space<vmem>>
        %dma_start3A_235 = arith.constant 0 : i32
        %dma_start3A_236 = arith.constant 0 : i32
        %dma_start3A_237 = tpu.memref_slice %arg3[%dma_start3A_235, %dma_start3A_236] : memref<100000x128xf32, #tpu.memory_space<hbm>> -> memref<100000x128xf32, #tpu.memory_space<hbm>>
        tpu.enqueue_indirect_dma source(%dma_start3A_237 : memref<100000x128xf32, #tpu.memory_space<hbm>>) target(%dma_start3A_231 : memref<128x128xf32, #tpu.memory_space<vmem>>) offsets(%dma_start3A_234 : memref<128xi32, #tpu.memory_space<vmem>>) semaphore(%arg7 : memref<!tpu.dma_semaphore, #tpu.memory_space<semaphore_mem>>)
      } else {
      }
      %add3A_141 = arith.constant 2 : i32
      %add3A_142 = arith.addi %add3A_61, %add3A_141 : i32
      %div3A_143 = arith.constant 2 : i32
      %div3A_144 = arith.divsi %add3A_142, %div3A_143 : i32
      %dma_wait3A_145 = arith.constant 2 : i32
      %dma_wait3A_146 = arith.constant 0 : i32
      %dma_wait3A_147 = arith.constant 0 : i32
      %dma_wait3A_148 = tpu.memref_slice %arg6[%dma_wait3A_145, %dma_wait3A_146, %dma_wait3A_147] : memref<4x128x128xf32, #tpu.memory_space<vmem>> -> memref<1x128x128xf32, #tpu.memory_space<vmem>>
      %dma_wait3A_149 = tpu.memref_squeeze %dma_wait3A_148 : memref<1x128x128xf32, #tpu.memory_space<vmem>> -> memref<128x128xf32, #tpu.memory_space<vmem>>
      %dma_wait3A_150 = arith.constant 0 : i32
      %dma_wait3A_151 = tpu.memref_slice %arg5[%add3A_142, %dma_wait3A_150] : memref<100x128xi32, #tpu.memory_space<vmem>> -> memref<1x128xi32, #tpu.memory_space<vmem>>
      %dma_wait3A_152 = tpu.memref_squeeze %dma_wait3A_151 : memref<1x128xi32, #tpu.memory_space<vmem>> -> memref<128xi32, #tpu.memory_space<vmem>>
      %dma_wait3A_153 = arith.constant 0 : i32
      %dma_wait3A_154 = arith.constant 0 : i32
      %dma_wait3A_155 = tpu.memref_slice %arg3[%dma_wait3A_153, %dma_wait3A_154] : memref<100000x128xf32, #tpu.memory_space<hbm>> -> memref<100000x128xf32, #tpu.memory_space<hbm>>
      tpu.wait_indirect_dma semaphore(%arg7 : memref<!tpu.dma_semaphore, #tpu.memory_space<semaphore_mem>>) src(%dma_wait3A_155 : memref<100000x128xf32, #tpu.memory_space<hbm>>) dst(%dma_wait3A_149 : memref<128x128xf32, #tpu.memory_space<vmem>>)
      %dma_start3A_156 = arith.constant 2 : i32
      %dma_start3A_157 = arith.constant 0 : i32
      %dma_start3A_158 = arith.constant 0 : i32
      %dma_start3A_159 = tpu.memref_slice %arg6[%dma_start3A_156, %dma_start3A_157, %dma_start3A_158] : memref<4x128x128xf32, #tpu.memory_space<vmem>> -> memref<1x128x128xf32, #tpu.memory_space<vmem>>
      %dma_start3A_160 = tpu.memref_squeeze %dma_start3A_159 : memref<1x128x128xf32, #tpu.memory_space<vmem>> -> memref<128x128xf32, #tpu.memory_space<vmem>>
      %dma_start3A_161 = arith.constant 0 : i32
      %dma_start3A_162 = tpu.memref_slice %arg4[%div3A_144, %mul3A_2, %dma_start3A_161] : memref<50x4096x256xf32, #tpu.memory_space<hbm>> -> memref<1x128x128xf32, #tpu.memory_space<hbm>>
      %dma_start3A_163 = tpu.memref_squeeze %dma_start3A_162 : memref<1x128x128xf32, #tpu.memory_space<hbm>> -> memref<128x128xf32, #tpu.memory_space<hbm>>
      %dma_start3A_164 = arith.constant 0 : i32
      %dma_start3A_165 = tpu.memref_slice %arg4[%div3A_144, %mul3A_2, %dma_start3A_164] : memref<50x4096x256xf32, #tpu.memory_space<hbm>> -> memref<1x128x128xf32, #tpu.memory_space<hbm>>
      %dma_start3A_166 = tpu.memref_squeeze %dma_start3A_165 : memref<1x128x128xf32, #tpu.memory_space<hbm>> -> memref<128x128xf32, #tpu.memory_space<hbm>>
      %dma_start3A_167 = arith.constant 0 : i32
      %dma_start3A_168 = arith.constant 0 : i32
      %dma_start3A_169 = tpu.memref_slice %arg6[%dma_start3A_156, %dma_start3A_167, %dma_start3A_168] : memref<4x128x128xf32, #tpu.memory_space<vmem>> -> memref<1x128x128xf32, #tpu.memory_space<vmem>>
      %dma_start3A_170 = tpu.memref_squeeze %dma_start3A_169 : memref<1x128x128xf32, #tpu.memory_space<vmem>> -> memref<128x128xf32, #tpu.memory_space<vmem>>
      tpu.enqueue_dma source(%dma_start3A_170 : memref<128x128xf32, #tpu.memory_space<vmem>>) target(%dma_start3A_166 : memref<128x128xf32, #tpu.memory_space<hbm>>) target_semaphore(%arg8 : memref<!tpu.dma_semaphore, #tpu.memory_space<semaphore_mem>>)
      %ge3A_171 = arith.constant 1 : i32
      %ge3A_172 = arith.cmpi sge, %add3A_142, %ge3A_171 : i32
      %convert_element_type3A_173 = arith.extui %ge3A_172 : i1 to i32
      %cond3A_174 = arith.constant 0 : i32
      %cond3A_175 = arith.cmpi ne, %convert_element_type3A_173, %cond3A_174 : i32
      scf.if %cond3A_175 {
        %dma_wait3A_225 = arith.constant 2 : i32
        %dma_wait3A_226 = arith.constant 0 : i32
        %dma_wait3A_227 = arith.constant 0 : i32
        %dma_wait3A_228 = tpu.memref_slice %arg6[%dma_wait3A_225, %dma_wait3A_226, %dma_wait3A_227] : memref<4x128x128xf32, #tpu.memory_space<vmem>> -> memref<1x128x128xf32, #tpu.memory_space<vmem>>
        %dma_wait3A_229 = tpu.memref_squeeze %dma_wait3A_228 : memref<1x128x128xf32, #tpu.memory_space<vmem>> -> memref<128x128xf32, #tpu.memory_space<vmem>>
        %dma_wait3A_230 = arith.constant 0 : i32
        %dma_wait3A_231 = tpu.memref_slice %arg4[%div3A_144, %mul3A_2, %dma_wait3A_230] : memref<50x4096x256xf32, #tpu.memory_space<hbm>> -> memref<1x128x128xf32, #tpu.memory_space<hbm>>
        %dma_wait3A_232 = tpu.memref_squeeze %dma_wait3A_231 : memref<1x128x128xf32, #tpu.memory_space<hbm>> -> memref<128x128xf32, #tpu.memory_space<hbm>>
        %dma_wait3A_233 = arith.constant 0 : i32
        %dma_wait3A_234 = tpu.memref_slice %arg4[%div3A_144, %mul3A_2, %dma_wait3A_233] : memref<50x4096x256xf32, #tpu.memory_space<hbm>> -> memref<1x128x128xf32, #tpu.memory_space<hbm>>
        %dma_wait3A_235 = tpu.memref_squeeze %dma_wait3A_234 : memref<1x128x128xf32, #tpu.memory_space<hbm>> -> memref<128x128xf32, #tpu.memory_space<hbm>>
        %dma_wait3A_236 = arith.constant 0 : i32
        %dma_wait3A_237 = arith.constant 0 : i32
        %dma_wait3A_238 = tpu.memref_slice %arg6[%dma_wait3A_225, %dma_wait3A_236, %dma_wait3A_237] : memref<4x128x128xf32, #tpu.memory_space<vmem>> -> memref<1x128x128xf32, #tpu.memory_space<vmem>>
        %dma_wait3A_239 = tpu.memref_squeeze %dma_wait3A_238 : memref<1x128x128xf32, #tpu.memory_space<vmem>> -> memref<128x128xf32, #tpu.memory_space<vmem>>
        tpu.wait_dma2 semaphore(%arg8 : memref<!tpu.dma_semaphore, #tpu.memory_space<semaphore_mem>>) src(%dma_wait3A_239 : memref<128x128xf32, #tpu.memory_space<vmem>>) dst(%dma_wait3A_235 : memref<128x128xf32, #tpu.memory_space<hbm>>)
      } else {
      }
      %add3A_176 = arith.constant 3 : i32
      %add3A_177 = arith.addi %add3A_142, %add3A_176 : i32
      %lt3A_178 = arith.constant 100 : i32
      %lt3A_179 = arith.cmpi slt, %add3A_177, %lt3A_178 : i32
      %convert_element_type3A_180 = arith.extui %lt3A_179 : i1 to i32
      %cond3A_181 = arith.constant 0 : i32
      %cond3A_182 = arith.cmpi ne, %convert_element_type3A_180, %cond3A_181 : i32
      scf.if %cond3A_182 {
        %add3A_225 = arith.constant 3 : i32
        %add3A_226 = arith.addi %add3A_142, %add3A_225 : i32
        %dma_start3A_227 = arith.constant 1 : i32
        %dma_start3A_228 = arith.constant 0 : i32
        %dma_start3A_229 = arith.constant 0 : i32
        %dma_start3A_230 = tpu.memref_slice %arg6[%dma_start3A_227, %dma_start3A_228, %dma_start3A_229] : memref<4x128x128xf32, #tpu.memory_space<vmem>> -> memref<1x128x128xf32, #tpu.memory_space<vmem>>
        %dma_start3A_231 = tpu.memref_squeeze %dma_start3A_230 : memref<1x128x128xf32, #tpu.memory_space<vmem>> -> memref<128x128xf32, #tpu.memory_space<vmem>>
        %dma_start3A_232 = arith.constant 0 : i32
        %dma_start3A_233 = tpu.memref_slice %arg5[%add3A_226, %dma_start3A_232] : memref<100x128xi32, #tpu.memory_space<vmem>> -> memref<1x128xi32, #tpu.memory_space<vmem>>
        %dma_start3A_234 = tpu.memref_squeeze %dma_start3A_233 : memref<1x128xi32, #tpu.memory_space<vmem>> -> memref<128xi32, #tpu.memory_space<vmem>>
        %dma_start3A_235 = arith.constant 0 : i32
        %dma_start3A_236 = arith.constant 0 : i32
        %dma_start3A_237 = tpu.memref_slice %arg3[%dma_start3A_235, %dma_start3A_236] : memref<100000x128xf32, #tpu.memory_space<hbm>> -> memref<100000x128xf32, #tpu.memory_space<hbm>>
        tpu.enqueue_indirect_dma source(%dma_start3A_237 : memref<100000x128xf32, #tpu.memory_space<hbm>>) target(%dma_start3A_231 : memref<128x128xf32, #tpu.memory_space<vmem>>) offsets(%dma_start3A_234 : memref<128xi32, #tpu.memory_space<vmem>>) semaphore(%arg7 : memref<!tpu.dma_semaphore, #tpu.memory_space<semaphore_mem>>)
      } else {
      }
      %add3A_183 = arith.constant 3 : i32
      %add3A_184 = arith.addi %add3A_61, %add3A_183 : i32
      %div3A_185 = arith.constant 2 : i32
      %div3A_186 = arith.divsi %add3A_184, %div3A_185 : i32
      %dma_wait3A_187 = arith.constant 3 : i32
      %dma_wait3A_188 = arith.constant 0 : i32
      %dma_wait3A_189 = arith.constant 0 : i32
      %dma_wait3A_190 = tpu.memref_slice %arg6[%dma_wait3A_187, %dma_wait3A_188, %dma_wait3A_189] : memref<4x128x128xf32, #tpu.memory_space<vmem>> -> memref<1x128x128xf32, #tpu.memory_space<vmem>>
      %dma_wait3A_191 = tpu.memref_squeeze %dma_wait3A_190 : memref<1x128x128xf32, #tpu.memory_space<vmem>> -> memref<128x128xf32, #tpu.memory_space<vmem>>
      %dma_wait3A_192 = arith.constant 0 : i32
      %dma_wait3A_193 = tpu.memref_slice %arg5[%add3A_184, %dma_wait3A_192] : memref<100x128xi32, #tpu.memory_space<vmem>> -> memref<1x128xi32, #tpu.memory_space<vmem>>
      %dma_wait3A_194 = tpu.memref_squeeze %dma_wait3A_193 : memref<1x128xi32, #tpu.memory_space<vmem>> -> memref<128xi32, #tpu.memory_space<vmem>>
      %dma_wait3A_195 = arith.constant 0 : i32
      %dma_wait3A_196 = arith.constant 0 : i32
      %dma_wait3A_197 = tpu.memref_slice %arg3[%dma_wait3A_195, %dma_wait3A_196] : memref<100000x128xf32, #tpu.memory_space<hbm>> -> memref<100000x128xf32, #tpu.memory_space<hbm>>
      tpu.wait_indirect_dma semaphore(%arg7 : memref<!tpu.dma_semaphore, #tpu.memory_space<semaphore_mem>>) src(%dma_wait3A_197 : memref<100000x128xf32, #tpu.memory_space<hbm>>) dst(%dma_wait3A_191 : memref<128x128xf32, #tpu.memory_space<vmem>>)
      %dma_start3A_198 = arith.constant 3 : i32
      %dma_start3A_199 = arith.constant 0 : i32
      %dma_start3A_200 = arith.constant 0 : i32
      %dma_start3A_201 = tpu.memref_slice %arg6[%dma_start3A_198, %dma_start3A_199, %dma_start3A_200] : memref<4x128x128xf32, #tpu.memory_space<vmem>> -> memref<1x128x128xf32, #tpu.memory_space<vmem>>
      %dma_start3A_202 = tpu.memref_squeeze %dma_start3A_201 : memref<1x128x128xf32, #tpu.memory_space<vmem>> -> memref<128x128xf32, #tpu.memory_space<vmem>>
      %dma_start3A_203 = arith.constant 128 : i32
      %dma_start3A_204 = tpu.memref_slice %arg4[%div3A_186, %mul3A_2, %dma_start3A_203] : memref<50x4096x256xf32, #tpu.memory_space<hbm>> -> memref<1x128x128xf32, #tpu.memory_space<hbm>>
      %dma_start3A_205 = tpu.memref_squeeze %dma_start3A_204 : memref<1x128x128xf32, #tpu.memory_space<hbm>> -> memref<128x128xf32, #tpu.memory_space<hbm>>
      %dma_start3A_206 = arith.constant 128 : i32
      %dma_start3A_207 = tpu.memref_slice %arg4[%div3A_186, %mul3A_2, %dma_start3A_206] : memref<50x4096x256xf32, #tpu.memory_space<hbm>> -> memref<1x128x128xf32, #tpu.memory_space<hbm>>
      %dma_start3A_208 = tpu.memref_squeeze %dma_start3A_207 : memref<1x128x128xf32, #tpu.memory_space<hbm>> -> memref<128x128xf32, #tpu.memory_space<hbm>>
      %dma_start3A_209 = arith.constant 0 : i32
      %dma_start3A_210 = arith.constant 0 : i32
      %dma_start3A_211 = tpu.memref_slice %arg6[%dma_start3A_198, %dma_start3A_209, %dma_start3A_210] : memref<4x128x128xf32, #tpu.memory_space<vmem>> -> memref<1x128x128xf32, #tpu.memory_space<vmem>>
      %dma_start3A_212 = tpu.memref_squeeze %dma_start3A_211 : memref<1x128x128xf32, #tpu.memory_space<vmem>> -> memref<128x128xf32, #tpu.memory_space<vmem>>
      tpu.enqueue_dma source(%dma_start3A_212 : memref<128x128xf32, #tpu.memory_space<vmem>>) target(%dma_start3A_208 : memref<128x128xf32, #tpu.memory_space<hbm>>) target_semaphore(%arg8 : memref<!tpu.dma_semaphore, #tpu.memory_space<semaphore_mem>>)
      %ge3A_213 = arith.constant 1 : i32
      %ge3A_214 = arith.cmpi sge, %add3A_184, %ge3A_213 : i32
      %convert_element_type3A_215 = arith.extui %ge3A_214 : i1 to i32
      %cond3A_216 = arith.constant 0 : i32
      %cond3A_217 = arith.cmpi ne, %convert_element_type3A_215, %cond3A_216 : i32
      scf.if %cond3A_217 {
        %dma_wait3A_225 = arith.constant 3 : i32
        %dma_wait3A_226 = arith.constant 0 : i32
        %dma_wait3A_227 = arith.constant 0 : i32
        %dma_wait3A_228 = tpu.memref_slice %arg6[%dma_wait3A_225, %dma_wait3A_226, %dma_wait3A_227] : memref<4x128x128xf32, #tpu.memory_space<vmem>> -> memref<1x128x128xf32, #tpu.memory_space<vmem>>
        %dma_wait3A_229 = tpu.memref_squeeze %dma_wait3A_228 : memref<1x128x128xf32, #tpu.memory_space<vmem>> -> memref<128x128xf32, #tpu.memory_space<vmem>>
        %dma_wait3A_230 = arith.constant 128 : i32
        %dma_wait3A_231 = tpu.memref_slice %arg4[%div3A_186, %mul3A_2, %dma_wait3A_230] : memref<50x4096x256xf32, #tpu.memory_space<hbm>> -> memref<1x128x128xf32, #tpu.memory_space<hbm>>
        %dma_wait3A_232 = tpu.memref_squeeze %dma_wait3A_231 : memref<1x128x128xf32, #tpu.memory_space<hbm>> -> memref<128x128xf32, #tpu.memory_space<hbm>>
        %dma_wait3A_233 = arith.constant 128 : i32
        %dma_wait3A_234 = tpu.memref_slice %arg4[%div3A_186, %mul3A_2, %dma_wait3A_233] : memref<50x4096x256xf32, #tpu.memory_space<hbm>> -> memref<1x128x128xf32, #tpu.memory_space<hbm>>
        %dma_wait3A_235 = tpu.memref_squeeze %dma_wait3A_234 : memref<1x128x128xf32, #tpu.memory_space<hbm>> -> memref<128x128xf32, #tpu.memory_space<hbm>>
        %dma_wait3A_236 = arith.constant 0 : i32
        %dma_wait3A_237 = arith.constant 0 : i32
        %dma_wait3A_238 = tpu.memref_slice %arg6[%dma_wait3A_225, %dma_wait3A_236, %dma_wait3A_237] : memref<4x128x128xf32, #tpu.memory_space<vmem>> -> memref<1x128x128xf32, #tpu.memory_space<vmem>>
        %dma_wait3A_239 = tpu.memref_squeeze %dma_wait3A_238 : memref<1x128x128xf32, #tpu.memory_space<vmem>> -> memref<128x128xf32, #tpu.memory_space<vmem>>
        tpu.wait_dma2 semaphore(%arg8 : memref<!tpu.dma_semaphore, #tpu.memory_space<semaphore_mem>>) src(%dma_wait3A_239 : memref<128x128xf32, #tpu.memory_space<vmem>>) dst(%dma_wait3A_235 : memref<128x128xf32, #tpu.memory_space<hbm>>)
      } else {
      }
      %add3A_218 = arith.constant 3 : i32
      %add3A_219 = arith.addi %add3A_184, %add3A_218 : i32
      %lt3A_220 = arith.constant 100 : i32
      %lt3A_221 = arith.cmpi slt, %add3A_219, %lt3A_220 : i32
      %convert_element_type3A_222 = arith.extui %lt3A_221 : i1 to i32
      %cond3A_223 = arith.constant 0 : i32
      %cond3A_224 = arith.cmpi ne, %convert_element_type3A_222, %cond3A_223 : i32
      scf.if %cond3A_224 {
        %add3A_225 = arith.constant 3 : i32
        %add3A_226 = arith.addi %add3A_184, %add3A_225 : i32
        %dma_start3A_227 = arith.constant 2 : i32
        %dma_start3A_228 = arith.constant 0 : i32
        %dma_start3A_229 = arith.constant 0 : i32
        %dma_start3A_230 = tpu.memref_slice %arg6[%dma_start3A_227, %dma_start3A_228, %dma_start3A_229] : memref<4x128x128xf32, #tpu.memory_space<vmem>> -> memref<1x128x128xf32, #tpu.memory_space<vmem>>
        %dma_start3A_231 = tpu.memref_squeeze %dma_start3A_230 : memref<1x128x128xf32, #tpu.memory_space<vmem>> -> memref<128x128xf32, #tpu.memory_space<vmem>>
        %dma_start3A_232 = arith.constant 0 : i32
        %dma_start3A_233 = tpu.memref_slice %arg5[%add3A_226, %dma_start3A_232] : memref<100x128xi32, #tpu.memory_space<vmem>> -> memref<1x128xi32, #tpu.memory_space<vmem>>
        %dma_start3A_234 = tpu.memref_squeeze %dma_start3A_233 : memref<1x128xi32, #tpu.memory_space<vmem>> -> memref<128xi32, #tpu.memory_space<vmem>>
        %dma_start3A_235 = arith.constant 0 : i32
        %dma_start3A_236 = arith.constant 0 : i32
        %dma_start3A_237 = tpu.memref_slice %arg3[%dma_start3A_235, %dma_start3A_236] : memref<100000x128xf32, #tpu.memory_space<hbm>> -> memref<100000x128xf32, #tpu.memory_space<hbm>>
        tpu.enqueue_indirect_dma source(%dma_start3A_237 : memref<100000x128xf32, #tpu.memory_space<hbm>>) target(%dma_start3A_231 : memref<128x128xf32, #tpu.memory_space<vmem>>) offsets(%dma_start3A_234 : memref<128xi32, #tpu.memory_space<vmem>>) semaphore(%arg7 : memref<!tpu.dma_semaphore, #tpu.memory_space<semaphore_mem>>)
      } else {
      }
    }
    %scan3A_41 = arith.constant 25 : i32
    %dma_wait3A = arith.constant 0 : i32
    %dma_wait3A_42 = arith.constant 0 : i32
    %dma_wait3A_43 = arith.constant 0 : i32
    %dma_wait3A_44 = arith.constant 0 : i32
    %dma_wait3A_45 = tpu.memref_slice %arg6[%dma_wait3A, %dma_wait3A_43, %dma_wait3A_44] : memref<4x128x128xf32, #tpu.memory_space<vmem>> -> memref<1x128x128xf32, #tpu.memory_space<vmem>>
    %dma_wait3A_46 = tpu.memref_squeeze %dma_wait3A_45 : memref<1x128x128xf32, #tpu.memory_space<vmem>> -> memref<128x128xf32, #tpu.memory_space<vmem>>
    %dma_wait3A_47 = arith.constant 0 : i32
    %dma_wait3A_48 = tpu.memref_slice %arg4[%dma_wait3A_42, %mul3A_2, %dma_wait3A_47] : memref<50x4096x256xf32, #tpu.memory_space<hbm>> -> memref<1x128x128xf32, #tpu.memory_space<hbm>>
    %dma_wait3A_49 = tpu.memref_squeeze %dma_wait3A_48 : memref<1x128x128xf32, #tpu.memory_space<hbm>> -> memref<128x128xf32, #tpu.memory_space<hbm>>
    %dma_wait3A_50 = arith.constant 0 : i32
    %dma_wait3A_51 = tpu.memref_slice %arg4[%dma_wait3A_42, %mul3A_2, %dma_wait3A_50] : memref<50x4096x256xf32, #tpu.memory_space<hbm>> -> memref<1x128x128xf32, #tpu.memory_space<hbm>>
    %dma_wait3A_52 = tpu.memref_squeeze %dma_wait3A_51 : memref<1x128x128xf32, #tpu.memory_space<hbm>> -> memref<128x128xf32, #tpu.memory_space<hbm>>
    %dma_wait3A_53 = arith.constant 0 : i32
    %dma_wait3A_54 = arith.constant 0 : i32
    %dma_wait3A_55 = tpu.memref_slice %arg6[%dma_wait3A, %dma_wait3A_53, %dma_wait3A_54] : memref<4x128x128xf32, #tpu.memory_space<vmem>> -> memref<1x128x128xf32, #tpu.memory_space<vmem>>
    %dma_wait3A_56 = tpu.memref_squeeze %dma_wait3A_55 : memref<1x128x128xf32, #tpu.memory_space<vmem>> -> memref<128x128xf32, #tpu.memory_space<vmem>>
    tpu.wait_dma2 semaphore(%arg8 : memref<!tpu.dma_semaphore, #tpu.memory_space<semaphore_mem>>) src(%dma_wait3A_56 : memref<128x128xf32, #tpu.memory_space<vmem>>) dst(%dma_wait3A_52 : memref<128x128xf32, #tpu.memory_space<hbm>>)
    return
  }
}

</mosaic_0001>

<sc_bundles>
// kernel: kernel.3.cloned.1.call-start
scs
__scs_entry_jumppad:
0x0: {  	(pc) =	sbr.rel $0x88, $3  }
0x1: {  	(tag) =	ssettag $0x0;
	lr =	simm.s32 $0x1  }
0x2: {  	[smem:$0x3F9F] =	sst lr;
	_ =	strace $0xD0000000  }
0x3: {  	_ = 	snop  }
0x4: {  	_ = 	snop  }
0x5: {  	_ = 	snop  }
0x6: {  	_ = 	snop  }
0x7: {  	_ = 	snop  }
__scs_overlays_trampoline_lowered:
0x8: {  	[smem:$0x3FAE] =	sst s0  }
0x9: {  	[smem:$0x3FAF] =	sst s1  }
0xa: {  	[smem:$0x3FB0] =	sst s2  }
0xb: {  	[smem:$0x3FB1] =	sst s3  }
0xc: {  	[smem:$0x3FB2] =	sst s4  }
0xd: {  	[smem:$0x3FB3] =	sst s5  }
0xe: {  	[smem:$0x3FB4] =	sst s6  }
0xf: {  	[smem:$0x3FB5] =	sst s7  }
0x10: {  	[smem:$0x3FB6] =	sst s8  }
0x11: {  	[smem:$0x3FB7] =	sst s9;
	s0 =	simm.s32 @!p0 $0x0  }
0x12: {  	s1 =	sld [smem:$0x3F9D];
	s0 =	simm.s32 @p0 $0x1  }
0x13: {  	[smem:$0x3FB8] =	sst s0;
	s0 =	simm.s32 @!p1 $0x0  }
0x14: {  	s2 =	sld [smem:$0x3F9C];
	s0 =	simm.s32 @p1 $0x1  }
0x15: {  	[smem:$0x3FB9] =	sst s0;
	s0 =	simm.s32 @!p2 $0x0  }
0x16: {  	s3 =	sld [smem:$0x3FDB];
	s0 =	simm.s32 @p2 $0x1  }
0x17: {  	s4 =	simm.s32 $0x1BF5;
	[smem:$0x3FBB] =	sst s0  }
0x18: {  	s0 =	sld [smem:$0x3F9E];
	_ =	swait.ge [sflag:s4], $0x0  }
0x19: {  	s7 =	sld [smem:$0x3F9F]  }
0x1a: {  	s8 =	sadd.s32 $0xFFFFE003, lr  }
0x1b: {  	s9 =	sadd.s32 $0xFFFFFEF7, lr;
	s5 =	simm.s32 $0xFFFFFFFF;
	p2 =	slt.u32 s8, $0xFFFFF086  }
0x1c: {  	p1 =	slt.u32 s9, $0xF7A;
	s5 =	simm.s32 @!p2 $0x0  }
0x1d: {  	s5 =	simm.s32 @p1 $0x1;
	p0 =	seq.s32 s7, s2  }
0x1e: {  	s7 =	smul.u32 @!p0 $0xF7A, s2;
	p2 =	seq.s32 @!p0 s5, $0x0  }
0x1f: {  	s9 =	smul.u32 $0xF7A, s1;
	s8 =	simm.s32 @!p0 $0x1BF5;
	p2 =	por !p2, p0  }
0x20: {  	[sflag:s8] =	ssyncset.s32 @!p0 $0xFFFFF086;
	s6 =	sadd.s32 @!p0 s3, s7;
	s7 =	simm.s32 @!p0 $0x108  }
0x21: {  	s3 =	sadd.s32 s3, s9;
	s6 =	sadd.s32 @!p0 $0x88, s6;
	s7 =	simm.s32 @p2 $0x1082  }
0x22: {  	[simem:s7], [sflag:s8] =	dma.local @!p0 [hbm:s6], $0xF7A  }
0x23: {  	s9 =	sor.u32 $0xD0000000, s2;
	s6 =	simm.s32 $0x108;
	_ =	swait.ge @!p0 [sflag:s8], $0x0  }
0x24: {  	s3 =	sadd.s32 $0x88, s3;
	s6 =	simm.s32 @!p1 $0x1082;
	[sflag:s4] =	ssyncset.s32 $0xFFFFF086  }
0x25: {  	[simem:s6], [sflag:s4] =	dma.local [hbm:s3], $0xF7A  }
0x26: {  	[smem:$0x3F9F] =	sst s1;
	(tag) =	ssettag s2;
	_ =	strace s9  }
0x27: {  	s1 =	sld [smem:$0x3FAF]  }
0x28: {  	s2 =	sld [smem:$0x3FB0]  }
0x29: {  	s4 =	sld [smem:$0x3FB2]  }
0x2a: {  	p0 =	seq.s32 s5, $0x0;
	s5 =	sld [smem:$0x3FB3]  }
0x2b: {  	s6 =	sld [smem:$0x3FB4]  }
0x2c: {  	s7 =	sld [smem:$0x3FB5]  }
0x2d: {  	s3 =	simm.s32 $0x108;
	s8 =	sld [smem:$0x3FB6]  }
0x2e: {  	s3 =	simm.s32 @!p0 $0x1082;
	s9 =	sld [smem:$0x3FB7]  }
0x2f: {  	lr =	sadd.s32 s0, s3;
	s0 =	sld [smem:$0x3FAE]  }
0x30: {  	s3 =	sld [smem:$0x3FB1]  }
0x31: {  	[smem:$0x3FBA] =	sst s10  }
0x32: {  	s10 =	sld [smem:$0x3FB8];
	_ =	sdelay $0x3  }
0x33: {  	p0 =	seq.s32 s10, $0x1;
	s10 =	sld [smem:$0x3FBA];
	_ =	sdelay $0x3  }
0x34: {  	[smem:$0x3FBA] =	sst s10  }
0x35: {  	s10 =	sld [smem:$0x3FB9];
	_ =	sdelay $0x3  }
0x36: {  	p1 =	seq.s32 s10, $0x1;
	s10 =	sld [smem:$0x3FBA];
	_ =	sdelay $0x3  }
0x37: {  	[smem:$0x3FBA] =	sst s10  }
0x38: {  	s10 =	sld [smem:$0x3FBB]  }
0x39: {  	_ = 	snop;
	(pc) =	sbr.ind lr, $3  }
0x3a: {  	_ = 	snop  }
0x3b: {  	_ = 	snop  }
0x3c: {  	p2 =	seq.s32 s10, $0x1;
	s10 =	sld [smem:$0x3FBA]  }
0x3d: {  	_ =	shalt  }
0x3e: {  	_ =	shalt  }
0x3f: {  	_ =	shalt  }
0x40: {  	_ =	shalt  }
0x41: {  	_ =	shalt  }
0x42: {  	_ =	shalt  }
0x43: {  	_ =	shalt  }
0x44: {  	_ =	shalt  }
0x45: {  	_ =	shalt  }
0x46: {  	_ =	shalt  }
0x47: {  	_ =	shalt  }
0x48: {  	_ =	shalt  }
0x49: {  	_ =	shalt  }
0x4a: {  	_ =	shalt  }
0x4b: {  	_ =	shalt  }
0x4c: {  	_ =	shalt  }
0x4d: {  	_ =	shalt  }
0x4e: {  	_ =	shalt  }
0x4f: {  	_ =	shalt  }
0x50: {  	_ =	shalt  }
0x51: {  	_ =	shalt  }
0x52: {  	_ =	shalt  }
0x53: {  	_ =	shalt  }
0x54: {  	_ =	shalt  }
0x55: {  	_ =	shalt  }
0x56: {  	_ =	shalt  }
0x57: {  	_ =	shalt  }
0x58: {  	_ =	shalt  }
0x59: {  	_ =	shalt  }
0x5a: {  	_ =	shalt  }
0x5b: {  	_ =	shalt  }
0x5c: {  	_ =	shalt  }
0x5d: {  	_ =	shalt  }
0x5e: {  	_ =	shalt  }
0x5f: {  	_ =	shalt  }
0x60: {  	_ =	shalt  }
0x61: {  	_ =	shalt  }
0x62: {  	_ =	shalt  }
0x63: {  	_ =	shalt  }
0x64: {  	_ =	shalt  }
0x65: {  	_ =	shalt  }
0x66: {  	_ =	shalt  }
0x67: {  	_ =	shalt  }
0x68: {  	_ =	shalt  }
0x69: {  	_ =	shalt  }
0x6a: {  	_ =	shalt  }
0x6b: {  	_ =	shalt  }
0x6c: {  	_ =	shalt  }
0x6d: {  	_ =	shalt  }
0x6e: {  	_ =	shalt  }
0x6f: {  	_ =	shalt  }
0x70: {  	_ =	shalt  }
0x71: {  	_ =	shalt  }
0x72: {  	_ =	shalt  }
0x73: {  	_ =	shalt  }
0x74: {  	_ =	shalt  }
0x75: {  	_ =	shalt  }
0x76: {  	_ =	shalt  }
0x77: {  	_ =	shalt  }
0x78: {  	_ =	shalt  }
0x79: {  	_ =	shalt  }
0x7a: {  	_ =	shalt  }
0x7b: {  	_ =	shalt  }
0x7c: {  	_ =	shalt  }
0x7d: {  	_ =	shalt  }
0x7e: {  	_ =	shalt  }
0x7f: {  	_ =	shalt  }
0x80: {  	_ =	shalt  }
0x81: {  	_ =	shalt  }
0x82: {  	_ =	shalt  }
0x83: {  	_ =	shalt  }
0x84: {  	_ =	shalt  }
0x85: {  	_ =	shalt  }
0x86: {  	_ =	shalt  }
0x87: {  	_ =	shalt  }
.Lfunc_end0:
.L_simem_size_0:
called_computation_lowered:
.L_overlay_start_0:
0x88: {  	s2 =	sld [smem:$0x3FD9]  }
0x89: {  	s3 =	sld [smem:$0x3FFE];
	_ =	sdelay $0x1  }
0x8a: {  	s1 =	srdreg.scid  }
0x8b: {  	s0 =	sand.u32 $0x1, s1  }
0x8c: {  	s17 =	sshll.u32 s0, $0xA;
	s2 =	sadd.s32 s3, s2  }
0x8d: {  	s2 =	sadd.s32 s2, s17  }
0x8e: {  	[smem:$0x3FC6] =	sst s2  }
0x8f: {  	_ = 	snop  }
0x90: {  	s2 =	sld [smem:$0x3FC8]  }
0x91: {  	s18 =	sld [smem:$0x3FD0];
	(tm) =	ssettm $0x1  }
0x92: {  	s4 =	sld [smem:$0x3FFB];
	_ =	sdelay $0x3  }
0x93: {  	_ =	strace s4  }
0x94: {  	s4 =	sld [smem:$0x3FFC];
	_ =	sdelay $0x3  }
0x95: {  	_ =	strace s4  }
0x96: {  	s4 =	sld [smem:$0x3FFD];
	_ =	sdelay $0x3  }
0x97: {  	_ =	strace s4  }
0x98: {  	_ =	strace $0x8FFFFFFF  }
0x99: {  	s19 =	sld [smem:$0x3FDB];
	_ =	sdelay $0x1  }
0x9a: {  	s5 =	simm.s32 $_scs_section_size  }
0x9b: {  	s6 =	simm.s32 $_size__tile_overlayer_lowered;
	s7 =	simm.s32 $_tile_overlayer_lowered  }
0x9c: {  	s22 =	simm.s32 $0x1BFF;
	s21 =	sshll.u32 s7, $0x1;
	s4 =	sadd.s32 s5, s19  }
0x9d: {  	s8 =	simm.s32 $0x0;
	s20 =	sshll.u32 s6, $0x1;
	s6 =	sadd.s32 s21, s4  }
0x9e: {  	[timem:s8], [sflag:s22] =	dma.local [hbm:s6], s20  }
0x9f: {  	_ =	swait.ge [sflag:s22], s20  }
0xa0: {  	s5 =	ssub.s32 $0x0, s20;
	[sflag:s22] =	ssyncset.done $0x0  }
0xa1: {  	[sflag:s22] =	ssyncadd.s32 s5;
	_ =	sdelay $0x1  }
0xa2: {  	s23 =	simm.s32 $0x1B8B  }
0xa3: {  	_ =	swait.ge [sflag:s23], $0x1  }
0xa4: {  	[sflag:s23] =	ssyncset.done $0x0  }
0xa5: {  	s25 =	simm.s32 $0x1B8E;
	s24 =	sld [smem:$0x3FFE];
	[sflag:s23] =	ssyncadd.s32 $0xFFFFFFFF  }
0xa6: {  	s26 =	simm.s32 $execute0_lowered;
	[smem:$0x3FD2] =	sst s25  }
0xa7: {  	s6 =	sshll.u32 s26, $0x1;
	_ =	strace $0x80000046;
	[dreg:$0x1] =	wrdreg $0xFFFFFFFF  }
0xa8: {  	s28 =	simm.s32 $_size_execute0_lowered;
	s4 =	sadd.s32 s4, s6;
	[dreg:$0x0] =	wrdreg $0x0  }
0xa9: {  	s6 =	sshll.u32 s28, $0x1;
	[dreg:$0x2] =	wrdreg s4  }
0xaa: {  	[dreg:$0x3] =	wrdreg s6  }
0xab: {  	[dreg:$0x4] =	wrdreg $0xC0  }
0xac: {  	_ =	task [dreg:s8], $0x5FFFF  }
0xad: {  	[dreg:$0x1] =	wrdreg $0xFFFFFFFF  }
0xae: {  	[dreg:$0x0] =	wrdreg $0x60  }
0xaf: {  	[dreg:$0x2] =	wrdreg s24  }
0xb0: {  	[dreg:$0x3] =	wrdreg s2  }
0xb1: {  	[dreg:$0x4] =	wrdreg s18  }
0xb2: {  	[dreg:$0x5] =	wrdreg $0x9  }
0xb3: {  	_ =	task.clear_ibuf [dreg:s8], $0x6FFFF;
	_ =	strace $0x90000046  }
0xb4: {  	s29 =	simm.s32 $0x9;
	_ =	strace $0x80000048  }
0xb5: {  	_ =	swait.ge [sflag:s29], $0x1  }
0xb6: {  	[sflag:s29] =	ssyncadd.s32 $0xFFFFFFFF  }
0xb7: {  	_ =	strace $0x90000048  }
0xb8: {  	_ =	sfence  }
0xb9: {  	s30 =	sld [smem:$0x0];
	_ =	sdelay $0x2  }
0xba: {  	s31 =	sshll.u32 s1, $0xD;
	s1 =	sshrl.u32 s1, $0x2  }
0xbb: {  	s3 =	sand.u32 $0x4000, s31;
	s1 =	sadd.s32 s1, s30  }
0xbc: {  	s0 =	sor.u32 s3, s0;
	s1 =	sshll.u32 s1, $0x11  }
0xbd: {  	s0 =	sor.u32 s1, s0  }
0xbe: {  	s0 =	sadd.s32 $0x8F2B, s0  }
0xbf: {  	[sflag:s0] =	ssyncadd.remote.s32 $0x1  }
0xc0: {  	_ =	sfence.sel $0xFFFF  }
0xc1: {  	[dreg:$0x0] =	wrdreg $0xFFFFFFFF;
	(pc) =	sbr.abs _section_cstart, $3  }
0xc2: {  	[dreg:$0x1] =	wrdreg $0xFFFFFFFF  }
0xc3: {  	_ =	task.clear_ibuf [dreg:s8], $0x2FFFF;
	_ =	strace $0x9FFFFFFF  }
0xc4: {  	(tm) =	ssettm $0x7FFFFFFF  }
0xc5: {  	_ =	shalt  }
tec
execute0_lowered:
.L_overlay_start_1:
0x0: {  	(tag) =	ssettag $0x1  }
0x1: {  	s0 =	rddreg [dreg:$0x0]  }
0x2: {  	s2 =	rddreg [dreg:$0x1]  }
0x3: {  	s3 =	rddreg [dreg:$0x2]  }
0x4: {  	s1 =	srdreg.scid;
	s8 =	stileid.u32;
	s4 =	simm.s32 $0x0  }
0x5: {  	s16 =	simm.s32 $0x400;
	s19 =	simm.s32 $0x3;
	s20 =	simm.s32 $0x80  }
0x6: {  	s21 =	simm.s32 $0x3400;
	s22 =	simm.s32 $0x7400;
	s29 =	simm.s32 $0xF400  }
0x7: {  	s30 =	simm.s32 $0x2;
	s17 =	simm.s32 $0x0;
	s1 =	sand.u32 $0x1, s1  }
0x8: {  	s5 =	sshll.u32 s8, $0x8;
	[smem:$0x7FF] =	sst s4;
	s7 =	sadd.s32 $0x80, s3  }
0x9: {  	s26 =	sshll.u32 s8, $0x10;
	s8 =	sadd.s32 $0x20000, s3;
	s6 =	sshll.u32 s1, $0x7  }
0xa: {  	s23 =	ssub.s32 $0x2, s1;
	_ =	strace $0x80000047;
	s9 =	sor.u32 s6, s5  }
0xb: {  	s1 =	sshll.u32 s1, $0xF;
	s24 =	sshrl.u32 s23, $0x1;
	s0 =	sadd.s32 s9, s0  }
0xc: {  	s10 =	ssub.s32 s23, s24;
	s12 =	sshll.u32 s9, $0x5;
	s24 =	simm.s32 $0xB400  }
0xd: {  	s25 =	sadd.s32 $0x400, s0;
	s0 =	sadd.s32 $0xC400, s0;
	s28 =	smax.u32 s10, $0x1  }
.Ltmp0:
0xe: {  	s10 =	sadd.s32 s3, s12;
	[dreg:$0x4] =	wrdreg s25;
	(pc) =	sbr.rel .LBB2_1-.Ltmp0, $4  }
0xf: {  	s11 =	sadd.s32 s12, s7;
	[dreg:$0x5] =	wrdreg s0;
	s0 =	sor.u32 s1, s26  }
0x10: {  	s12 =	sadd.s32 s12, s8;
	[dreg:$0x6] =	wrdreg s28;
	s31 =	sor.u32 $0x300000, s0  }
0x11: {  	s13 =	sadd.s32 $0x20000, s11;
	s25 =	simm.s32 $0x1;
	s1 =	sshrl.u32 s31, $0x3  }
0x12: {  	s26 =	simm.s32 $0x800;
	s23 =	sor.u32 $0x200000, s0;
	s18 =	sadd.s32 s1, s7  }
.LBB2_4:
0x13: {  	_ =	swait.ge [sflag:s30], $0x4000  }
0x14: {  	s17 =	sadd.s32 $0x1, s17;
	s0 =	rddreg [dreg:$0x6]  }
0x15: {  	p0 =	sne.s32 s17, s0  }
.Ltmp1:
0x16: {  	_ = 	snop;
	(pc) =	sbr.rel @!p0 .LBB2_5-.Ltmp1, $3  }
0x17: {  	_ =	sdelay $0x1  }
0x18: {  	[sflag:s30] =	ssyncset.done $0x0  }
0x19: {  	[sflag:s30] =	ssyncadd.s32 $0xFFFFC000  }
.LBB2_1:
0x1a: {  	s0 =	rddreg [dreg:$0x4];
	s1 =	simm.s32 $0x8000  }
0x1b: {  	[tilespmem:s4], [sflag:$0x3] =	stream.strided.gather [hbm4b:s0+s16], $0x3000, s1, s16, $0x38;
	[tilespmem:$0x13400] =	vst v63  }
0x1c: {  	s5 =	simm.s32 $0x3000;
	s1 =	rddreg [dreg:$0x5]  }
0x1d: {  	[tilespmem:s5], [sflag:$0x3] =	stream.linear.gather [hbm4b:s1+s4], $0x200, $0x38;
	[tilespmem:$0x13400] =	vst v63  }
0x1e: {  	_ =	swait.ge [sflag:s19], $0x3200  }
0x1f: {  	[sflag:s19] =	ssyncset.done $0x0  }
0x20: {  	[sflag:s19] =	ssyncadd.s32 $0xFFFFCE00  }
0x21: {  	[tilespmem:s21], [sflag:$0x1] =	stream.indirect.gather [hbm4b:s2+s20], $0x80, s4, s20, $0xb8;
	[tilespmem:$0x13400] =	vst v63  }
0x22: {  	_ = 	snop  }
0x23: {  	[tilespmem:s22], [sflag:$0x1] =	stream.indirect.gather [hbm4b:s2+s20], $0x80, s20, s20, $0xb8;
	[tilespmem:$0x13400] =	vst v63  }
0x24: {  	s6 =	simm.s32 $0x100  }
0x25: {  	[tilespmem:s24], [sflag:$0x1] =	stream.indirect.gather [hbm4b:s2+s20], $0x80, s6, s20, $0xb8;
	[tilespmem:$0x13400] =	vst v63  }
0x26: {  	_ =	swait.ge [sflag:s25], $0x4000  }
0x27: {  	[sflag:s25] =	ssyncset.done $0x0  }
0x28: {  	[sflag:s25] =	ssyncadd.s32 $0xFFFFC000  }
0x29: {  	[hbm4b:s10+s16] =	stream.strided.scatter [tilespmem:s21], [sflag:$0x2], $0x4000, s26, s16, $0x38;
	[tilespmem:$0x13400] =	vst v63  }
0x2a: {  	s9 =	simm.s32 $0x180  }
0x2b: {  	[tilespmem:s29], [sflag:$0x1] =	stream.indirect.gather [hbm4b:s2+s20], $0x80, s9, s20, $0xb8;
	[tilespmem:$0x13400] =	vst v63  }
0x2c: {  	_ =	swait.ge [sflag:s25], $0x4000  }
0x2d: {  	[sflag:s25] =	ssyncset.done $0x0  }
0x2e: {  	[sflag:s25] =	ssyncadd.s32 $0xFFFFC000  }
0x2f: {  	[hbm4b:s11+s16] =	stream.strided.scatter [tilespmem:s22], [sflag:$0x2], $0x4000, s26, s16, $0x38;
	[tilespmem:$0x13400] =	vst v63  }
0x30: {  	_ =	swait.ge [sflag:s30], $0x4000  }
0x31: {  	[sflag:s30] =	ssyncset.done $0x0  }
0x32: {  	s14 =	simm.s32 $0x200;
	[sflag:s30] =	ssyncadd.s32 $0xFFFFC000  }
0x33: {  	[tilespmem:s21], [sflag:$0x1] =	stream.indirect.gather [hbm4b:s2+s20], $0x80, s14, s20, $0xb8;
	[tilespmem:$0x13400] =	vst v63  }
0x34: {  	_ =	swait.ge [sflag:s25], $0x4000  }
0x35: {  	[sflag:s25] =	ssyncset.done $0x0  }
0x36: {  	[sflag:s25] =	ssyncadd.s32 $0xFFFFC000  }
0x37: {  	[hbm4b:s12+s16] =	stream.strided.scatter [tilespmem:s24], [sflag:$0x2], $0x4000, s26, s16, $0x38;
	[tilespmem:$0x13400] =	vst v63  }
0x38: {  	_ =	swait.ge [sflag:s30], $0x4000  }
0x39: {  	[sflag:s30] =	ssyncset.done $0x0  }
0x3a: {  	s15 =	simm.s32 $0x280;
	[sflag:s30] =	ssyncadd.s32 $0xFFFFC000  }
0x3b: {  	[tilespmem:s22], [sflag:$0x1] =	stream.indirect.gather [hbm4b:s2+s20], $0x80, s15, s20, $0xb8;
	[tilespmem:$0x13400] =	vst v63  }
0x3c: {  	_ =	swait.ge [sflag:s25], $0x4000  }
0x3d: {  	[sflag:s25] =	ssyncset.done $0x0  }
0x3e: {  	[sflag:s25] =	ssyncadd.s32 $0xFFFFC000  }
0x3f: {  	[hbm4b:s13+s16] =	stream.strided.scatter [tilespmem:s29], [sflag:$0x2], $0x4000, s26, s16, $0x38;
	[tilespmem:$0x13400] =	vst v63  }
0x40: {  	_ =	swait.ge [sflag:s30], $0x4000  }
0x41: {  	s31 =	simm.s32 $0x300;
	s28 =	simm.s32 $0x0;
	[sflag:s30] =	ssyncset.done $0x0  }
0x42: {  	s14 =	smov.u32 s23;
	s15 =	smov.u32 s18;
	[sflag:s30] =	ssyncadd.s32 $0xFFFFC000  }
0x43: {  	[tilespmem:s24], [sflag:$0x1] =	stream.indirect.gather [hbm4b:s2+s20], $0x80, s31, s20, $0xb8;
	[tilespmem:$0x13400] =	vst v63  }
.LBB2_2:
0x44: {  	_ =	swait.ge [sflag:s25], $0x4000  }
0x45: {  	s0 =	sshrl.u32 s14, $0x3;
	[sflag:s25] =	ssyncset.done $0x0  }
0x46: {  	s31 =	sadd.s32 s3, s0;
	[sflag:s25] =	ssyncadd.s32 $0xFFFFC000  }
0x47: {  	[hbm4b:s31+s16] =	stream.strided.scatter [tilespmem:s21], [sflag:$0x2], $0x4000, s26, s16, $0x38;
	[tilespmem:$0x13400] =	vst v63  }
0x48: {  	_ =	swait.ge [sflag:s30], $0x4000  }
0x49: {  	s31 =	sshra.s32 s28, $0x2;
	[sflag:s30] =	ssyncset.done $0x0  }
0x4a: {  	s1 =	sadd.s32 $0x380, s31;
	[sflag:s30] =	ssyncadd.s32 $0xFFFFC000  }
0x4b: {  	[tilespmem:s29], [sflag:$0x1] =	stream.indirect.gather [hbm4b:s2+s20], $0x80, s1, s20, $0xb8;
	[tilespmem:$0x13400] =	vst v63  }
0x4c: {  	_ =	swait.ge [sflag:s25], $0x4000  }
0x4d: {  	[sflag:s25] =	ssyncset.done $0x0  }
0x4e: {  	s9 =	sadd.s32 s0, s7;
	[sflag:s25] =	ssyncadd.s32 $0xFFFFC000  }
0x4f: {  	[hbm4b:s9+s16] =	stream.strided.scatter [tilespmem:s22], [sflag:$0x2], $0x4000, s26, s16, $0x38;
	[tilespmem:$0x13400] =	vst v63  }
0x50: {  	p0 =	seq.s32 s28, $0xB800;
	_ =	swait.ge [sflag:s30], $0x4000  }
0x51: {  	s6 =	simm.s32 @!p0 $0x80;
	s1 =	sshra.s32 @!p0 s28, $0x2;
	[sflag:s30] =	ssyncset.done $0x0  }
0x52: {  	s5 =	sadd.s32 @!p0 $0x400, s1;
	s9 =	simm.s32 @!p0 $0x3400;
	[sflag:s30] =	ssyncadd.s32 $0xFFFFC000  }
0x53: {  	[tilespmem:s9], [sflag:$0x1] =	stream.indirect.gather @!p0 [hbm4b:s2+s6], $0x80, s5, s6, $0xb8;
	[tilespmem:$0x13400] =	vst v63  }
0x54: {  	_ =	swait.ge [sflag:s25], $0x4000  }
0x55: {  	[sflag:s25] =	ssyncset.done $0x0  }
0x56: {  	s0 =	sadd.s32 s0, s8;
	[sflag:s25] =	ssyncadd.s32 $0xFFFFC000  }
0x57: {  	[hbm4b:s0+s16] =	stream.strided.scatter [tilespmem:s24], [sflag:$0x2], $0x4000, s26, s16, $0x38;
	[tilespmem:$0x13400] =	vst v63  }
0x58: {  	_ =	swait.ge [sflag:s30], $0x4000  }
0x59: {  	[sflag:s30] =	ssyncset.done $0x0  }
0x5a: {  	s0 =	sadd.s32 @!p0 $0x480, s1;
	s1 =	simm.s32 @!p0 $0x7400;
	[sflag:s30] =	ssyncadd.s32 $0xFFFFC000  }
0x5b: {  	[tilespmem:s1], [sflag:$0x1] =	stream.indirect.gather @!p0 [hbm4b:s2+s6], $0x80, s0, s6, $0xb8;
	[tilespmem:$0x13400] =	vst v63  }
0x5c: {  	_ =	swait.ge [sflag:s25], $0x4000  }
0x5d: {  	[sflag:s25] =	ssyncset.done $0x0  }
.Ltmp2:
0x5e: {  	[sflag:s25] =	ssyncadd.s32 $0xFFFFC000;
	(pc) =	sbr.rel @p0 .LBB2_4-.Ltmp2, $4  }
0x5f: {  	[hbm4b:s15+s16] =	stream.strided.scatter [tilespmem:s29], [sflag:$0x2], $0x4000, s26, s16, $0x38;
	[tilespmem:$0x13400] =	vst v63  }
0x60: {  	_ =	swait.ge [sflag:s30], $0x4000  }
0x61: {  	[sflag:s30] =	ssyncset.done $0x0  }
0x62: {  	[sflag:s30] =	ssyncadd.s32 $0xFFFFC000  }
.Ltmp3:
0x63: {  	(pc) =	sbr.rel .LBB2_2-.Ltmp3, $4  }
0x64: {  	_ = 	snop  }
0x65: {  	s0 =	sadd.s32 $0x500, s31  }
0x66: {  	s28 =	sadd.s32 $0x800, s28;
	s14 =	sadd.s32 $0x200000, s14;
	s15 =	sadd.s32 $0x40000, s15  }
0x67: {  	[tilespmem:s24], [sflag:$0x1] =	stream.indirect.gather [hbm4b:s2+s20], $0x80, s0, s20, $0xb8;
	[tilespmem:$0x13400] =	vst v63  }
.LBB2_5:
0x68: {  	_ =	sfence.sel $0x180000  }
0x69: {  	[bflag:$0x0] =	sbarrier.arrive $0xFFFF  }
0x6a: {  	_ =	strace $0x90000047  }
0x6b: {  	s0 =	stileid.u32;
	[bflag:$0x2] =	sbarrier.arrive $0xFFFF  }
0x6c: {  	p0 =	sne.s32 s0, $0x0;
	s0 =	rddreg [dreg:$0x3]  }
0x6d: {  	s0 =	sadd.s32 @!p0 $0x100000, s0  }
0x6e: {  	[sflag:s0] =	ssyncadd.tile.s32 @!p0 $0x1;
	_ =	shalt  }
.Lfunc_end2:
_tile_overlayer_lowered:
.L_overlay_start_2:
0x6f: {  	(tag) =	ssettag $0x2  }
0x70: {  	s0 =	rddreg [dreg:$0x0];
	s2 =	stileid.u32  }
0x71: {  	s1 =	rddreg [dreg:$0x1];
	p0 =	sne.s32 s2, $0x0  }
0x72: {  	s3 =	rddreg [dreg:$0x2];
	[bflag:$0x3] =	sbarrier.arrive $0xFFFF;
	s2 =	simm.s32 @!p0 $0x1C03  }
0x73: {  	[timem:s3], [sflag:s2] =	dma.local @!p0 [hbm:s0], s1  }
0x74: {  	s0 =	simm.s32 @!p0 $0x3  }
0x75: {  	_ =	swait.ge @!p0 [sflag:s0], s1  }
0x76: {  	s1 =	ssub.s32 @!p0 $0x0, s1;
	[sflag:s0] =	ssyncset.done @!p0 $0x0  }
0x77: {  	[sflag:s0] =	ssyncadd.s32 @!p0 s1  }
0x78: {  	[bflag:$0x3] =	sbarrier.arrive $0xFFFF  }
0x79: {  	_ =	shalt  }

</sc_bundles>
